<compile_context>
chip_gen: v7x
topology: tpu7x:2x2x1
jax: 0.10.2.dev20260603
libtpu: 0.0.44.dev20260713+nightly
codegen_flags: <defaults>
</compile_context>

<pallas_src>
import functools

import jax
import jax.numpy as jnp
from jax import lax
from jax.experimental import pallas as pl
from jax.experimental.pallas import tpu as pltpu
from jax.experimental.pallas import tpu_sc as plsc

_LB = 8192
_G = 8
_LG = _LB // _G


def _round_bf16_bits(u):
    return lax.shift_right_arithmetic(
        u + 0x7FFF + (lax.shift_right_logical(u, 16) & 1), 16
    )


def _relayout_body(x_ref, o_ref):
    x = x_ref[...]
    u = lax.bitcast_convert_type(x, jnp.int32)
    lo = _round_bf16_bits(u[:16, :]) & 0xFFFF
    hi = lax.shift_left(_round_bf16_bits(u[16:, :]), 16)
    w = hi | lo
    parts = [
        jnp.transpose(w[:, _LG * o : _LG * (o + 1)]) for o in range(_G)
    ]
    o_ref[...] = jnp.concatenate(parts, axis=1)


def _relayout_tc(table_t):
    D, V = table_t.shape
    grid = (V + _LB - 1) // _LB
    Q = grid * _LG
    return pl.pallas_call(
        _relayout_body,
        grid=(grid,),
        in_specs=[pl.BlockSpec((D, _LB), lambda i: (0, i))],
        out_specs=pl.BlockSpec((_LG, 128), lambda i: (i, 0)),
        out_shape=jax.ShapeDtypeStruct((Q, 128), jnp.int32),
    )(table_t)


def _gather_sc(table_c, widx3):
    nw = widx3.shape[0]
    B = nw * 512
    info = plsc.get_sparse_core_info()
    nc = info.num_cores
    mesh = plsc.VectorSubcoreMesh(core_axis_name="c", subcore_axis_name="s")

    @functools.partial(
        pl.kernel,
        mesh=mesh,
        out_type=jax.ShapeDtypeStruct((B, 128), jnp.int32),
        scratch_types=[
            pltpu.VMEM((4, 128), jnp.int32),
            pltpu.VMEM((4, 128, 128), jnp.int32),
            pltpu.SemaphoreType.DMA,
        ],
    )
    def gk(widx_hbm, table_hbm, out_hbm, idx_v, rows_v, sem):
        wid = lax.axis_index("s") * nc + lax.axis_index("c")
        base = wid * 512
        pltpu.sync_copy(widx_hbm.at[wid], idx_v)
        copies = [
            pltpu.async_copy(table_hbm.at[idx_v.at[k]], rows_v.at[k], sem)
            for k in range(4)
        ]
        for k in range(4):
            copies[k].wait()
            pltpu.sync_copy(
                rows_v.at[k], out_hbm.at[pl.ds(base + 128 * k, 128)]
            )

    return gk(widx3, table_c)


def _mlp_body(x_ref, o_ref_in, wlo_ref, whi_ref, b1_ref, w2t_ref, b2_ref,
              o_ref):
    xw = x_ref[...]
    grp = jax.lax.broadcasted_iota(jnp.int32, xw.shape, 1) // 16
    xm = jnp.where(grp == o_ref_in[...], xw, 0)
    xlo = lax.bitcast_convert_type(
        lax.shift_left(xm, 16), jnp.float32
    ).astype(jnp.bfloat16)
    xhi = lax.bitcast_convert_type(
        xm & jnp.int32(-65536), jnp.float32
    ).astype(jnp.bfloat16)
    h = lax.dot_general(
        wlo_ref[...], xlo,
        dimension_numbers=(((0,), (1,)), ((), ())),
        preferred_element_type=jnp.float32,
    )
    h = h + lax.dot_general(
        whi_ref[...], xhi,
        dimension_numbers=(((0,), (1,)), ((), ())),
        preferred_element_type=jnp.float32,
    )
    h = jnp.maximum(h + b1_ref[...], 0.0).astype(jnp.bfloat16)
    z = jnp.dot(w2t_ref[...], h, preferred_element_type=jnp.float32)
    z = z + b2_ref[...]
    o_ref[...] = jax.nn.sigmoid(z)


def _mlp_tc_t(x128, o_col, Wlo, Whi, b1c, W2t, b2c):
    B = x128.shape[0]
    H = Wlo.shape[1]
    N = W2t.shape[0]
    BB = 2048
    return pl.pallas_call(
        _mlp_body,
        grid=(B // BB,),
        in_specs=[
            pl.BlockSpec((BB, 128), lambda i: (i, 0)),
            pl.BlockSpec((BB, 1), lambda i: (i, 0)),
            pl.BlockSpec((128, H), lambda i: (0, 0)),
            pl.BlockSpec((128, H), lambda i: (0, 0)),
            pl.BlockSpec((H, 1), lambda i: (0, 0)),
            pl.BlockSpec((N, H), lambda i: (0, 0)),
            pl.BlockSpec((N, 1), lambda i: (0, 0)),
        ],
        out_specs=pl.BlockSpec((N, BB), lambda i: (0, i)),
        out_shape=jax.ShapeDtypeStruct((N, B), jnp.float32),
    )(x128, o_col, Wlo, Whi, b1c, W2t, b2c)


def kernel(indices, table, W1, b1, W2, b2):
    table_t = jnp.transpose(table)
    table_c = _relayout_tc(table_t)
    p = indices.astype(jnp.int32)
    q = (p // _LB) * _LG + (p % _LG)
    widx3 = q.reshape(-1, 4, 128)
    o_col = ((p % _LB) // _LG).reshape(-1, 1)
    x128 = _gather_sc(table_c, widx3)
    Wlo = jnp.tile(W1[:16], (_G, 1)).astype(jnp.bfloat16)
    Whi = jnp.tile(W1[16:], (_G, 1)).astype(jnp.bfloat16)
    W2t = jnp.transpose(W2).astype(jnp.bfloat16)
    out_t = _mlp_tc_t(
        x128, o_col, Wlo, Whi, b1.reshape(-1, 1), W2t, b2.reshape(-1, 1)
    )
    return jnp.transpose(out_t)

# --- scband reference (transcript-rebuilt; emitter-appended) ---
"""Pipeline reference for scband-gap-model-16879221473679 (READ-ONLY COPY).

The authoritative reference and input builder live on the scoring server;
editing this copy changes nothing except your own understanding.
"""

import jax, jax.numpy as jnp
import numpy as np

NUM_PROFESSIONS = 1000000
NUM_SKILLS = 1000
EMBED_DIM = 32
BATCH = 16384

def setup_inputs(seed: int = 0) -> dict:
    key = jax.random.key(seed)
    k1, k2, k3, k4 = jax.random.split(key, 4)
    indices = jax.random.randint(k1, (BATCH,), 0, NUM_PROFESSIONS, dtype=jnp.int64 if jax.config.jax_enable_x64 else jnp.int32).astype(jnp.int32)
    table = jax.random.normal(k2, (NUM_PROFESSIONS, EMBED_DIM), dtype=jnp.float32) * 0.05
    W1 = jax.random.normal(k3, (EMBED_DIM, 256), dtype=jnp.float32) * 0.05
    b1 = jnp.zeros((256,), dtype=jnp.float32)
    W2 = jax.random.normal(k4, (256, NUM_SKILLS), dtype=jnp.float32) * 0.05
    b2 = jnp.zeros((NUM_SKILLS,), dtype=jnp.float32)
    return {"indices": indices, "table": table, "W1": W1, "b1": b1, "W2": W2, "b2": b2}

def reference(indices, table, W1, b1, W2, b2):
    # prof_embedding lookup
    x = jnp.take(table, indices, axis=0)          # [B, embed_dim]
    # flatten (no-op for rank-2, but keep faithful)
    x = x.reshape((x.shape[0], -1))
    # dense1: relu
    h = jax.nn.relu(x @ W1 + b1)                  # [B, 256]
    # out_layer: sigmoid
    out = jax.nn.sigmoid(h @ W2 + b2)             # [B, num_skills]
    return out

if __name__ == "__main__":
    import jax
    _d = setup_inputs()
    print(jax.jit(kernel)(*tuple(_d.values())))

</pallas_src>

<mosaic_0001>
#map = affine_map<(d0, d1) -> (0, 0, 0)>
#map1 = affine_map<(d0, d1) -> (0, 0)>
module attributes {stable_mosaic.version = 14 : i64} {
  func.func @gk(%arg0: i32, %arg1: i32, %arg2: memref<32x4x128xi32, #tpu.memory_space<hbm>>, %arg3: memref<125952x128xi32, #tpu.memory_space<hbm>>, %arg4: memref<16384x128xi32, #tpu.memory_space<hbm>>, %arg5: memref<4x128xi32, #tpu.memory_space<vmem>>, %arg6: memref<4x128x128xi32, #tpu.memory_space<vmem>>, %arg7: memref<!tpu.dma_semaphore, #tpu.memory_space<semaphore_mem>>) attributes {dimension_semantics = [#tpu.dimension_semantics<core_parallel>, #tpu.dimension_semantics<subcore_parallel>], iteration_bounds = array<i64: 2, 16>, scalar_prefetch = 0 : i64, scratch_operands = 3 : i64, tpu.core_type = #tpu.core_type<sc_vector_subcore>, window_params = [{transform_indices = #map}, {transform_indices = #map1}, {transform_indices = #map1}]} {
    %mul3A = arith.constant 2 : i32
    %mul3A_0 = arith.muli %arg1, %mul3A : i32
    %add3A = arith.addi %mul3A_0, %arg0 : i32
    %mul3A_1 = arith.constant 512 : i32
    %mul3A_2 = arith.muli %add3A, %mul3A_1 : i32
    "tpu.region"() ({
      %run_scoped3A_108 = tpu.sem_alloc : memref<!tpu.dma_semaphore, #tpu.memory_space<semaphore_mem>>
      %dma_start3A_109 = arith.constant 0 : i32
      %dma_start3A_110 = arith.constant 0 : i32
      %dma_start3A_111 = tpu.memref_slice %arg2[%add3A, %dma_start3A_109, %dma_start3A_110] : memref<32x4x128xi32, #tpu.memory_space<hbm>> -> memref<1x4x128xi32, #tpu.memory_space<hbm>>
      %dma_start3A_112 = tpu.memref_squeeze %dma_start3A_111 : memref<1x4x128xi32, #tpu.memory_space<hbm>> -> memref<4x128xi32, #tpu.memory_space<hbm>>
      %dma_start3A_113 = arith.constant 0 : i32
      %dma_start3A_114 = arith.constant 0 : i32
      %dma_start3A_115 = tpu.memref_slice %arg2[%add3A, %dma_start3A_113, %dma_start3A_114] : memref<32x4x128xi32, #tpu.memory_space<hbm>> -> memref<1x4x128xi32, #tpu.memory_space<hbm>>
      %dma_start3A_116 = tpu.memref_squeeze %dma_start3A_115 : memref<1x4x128xi32, #tpu.memory_space<hbm>> -> memref<4x128xi32, #tpu.memory_space<hbm>>
      tpu.enqueue_dma source(%dma_start3A_116 : memref<4x128xi32, #tpu.memory_space<hbm>>) target(%arg5 : memref<4x128xi32, #tpu.memory_space<vmem>>) target_semaphore(%run_scoped3A_108 : memref<!tpu.dma_semaphore, #tpu.memory_space<semaphore_mem>>)
      %dma_wait3A_117 = arith.constant 0 : i32
      %dma_wait3A_118 = arith.constant 0 : i32
      %dma_wait3A_119 = tpu.memref_slice %arg2[%add3A, %dma_wait3A_117, %dma_wait3A_118] : memref<32x4x128xi32, #tpu.memory_space<hbm>> -> memref<1x4x128xi32, #tpu.memory_space<hbm>>
      %dma_wait3A_120 = tpu.memref_squeeze %dma_wait3A_119 : memref<1x4x128xi32, #tpu.memory_space<hbm>> -> memref<4x128xi32, #tpu.memory_space<hbm>>
      %dma_wait3A_121 = arith.constant 0 : i32
      %dma_wait3A_122 = arith.constant 0 : i32
      %dma_wait3A_123 = tpu.memref_slice %arg2[%add3A, %dma_wait3A_121, %dma_wait3A_122] : memref<32x4x128xi32, #tpu.memory_space<hbm>> -> memref<1x4x128xi32, #tpu.memory_space<hbm>>
      %dma_wait3A_124 = tpu.memref_squeeze %dma_wait3A_123 : memref<1x4x128xi32, #tpu.memory_space<hbm>> -> memref<4x128xi32, #tpu.memory_space<hbm>>
      tpu.wait_dma2 semaphore(%run_scoped3A_108 : memref<!tpu.dma_semaphore, #tpu.memory_space<semaphore_mem>>) src(%dma_wait3A_124 : memref<4x128xi32, #tpu.memory_space<hbm>>) dst(%arg5 : memref<4x128xi32, #tpu.memory_space<vmem>>)
      tpu.yield
    }) : () -> ()
    %dma_start3A = arith.constant 0 : i32
    %dma_start3A_3 = arith.constant 0 : i32
    %dma_start3A_4 = arith.constant 0 : i32
    %dma_start3A_5 = arith.constant 0 : i32
    %dma_start3A_6 = tpu.memref_slice %arg6[%dma_start3A_3, %dma_start3A_4, %dma_start3A_5] : memref<4x128x128xi32, #tpu.memory_space<vmem>> -> memref<1x128x128xi32, #tpu.memory_space<vmem>>
    %dma_start3A_7 = tpu.memref_squeeze %dma_start3A_6 : memref<1x128x128xi32, #tpu.memory_space<vmem>> -> memref<128x128xi32, #tpu.memory_space<vmem>>
    %dma_start3A_8 = arith.constant 0 : i32
    %dma_start3A_9 = tpu.memref_slice %arg5[%dma_start3A, %dma_start3A_8] : memref<4x128xi32, #tpu.memory_space<vmem>> -> memref<1x128xi32, #tpu.memory_space<vmem>>
    %dma_start3A_10 = tpu.memref_squeeze %dma_start3A_9 : memref<1x128xi32, #tpu.memory_space<vmem>> -> memref<128xi32, #tpu.memory_space<vmem>>
    %dma_start3A_11 = arith.constant 0 : i32
    %dma_start3A_12 = arith.constant 0 : i32
    %dma_start3A_13 = tpu.memref_slice %arg3[%dma_start3A_11, %dma_start3A_12] : memref<125952x128xi32, #tpu.memory_space<hbm>> -> memref<125952x128xi32, #tpu.memory_space<hbm>>
    tpu.enqueue_indirect_dma source(%dma_start3A_13 : memref<125952x128xi32, #tpu.memory_space<hbm>>) target(%dma_start3A_7 : memref<128x128xi32, #tpu.memory_space<vmem>>) offsets(%dma_start3A_10 : memref<128xi32, #tpu.memory_space<vmem>>) semaphore(%arg7 : memref<!tpu.dma_semaphore, #tpu.memory_space<semaphore_mem>>)
    %dma_start3A_14 = arith.constant 1 : i32
    %dma_start3A_15 = arith.constant 1 : i32
    %dma_start3A_16 = arith.constant 0 : i32
    %dma_start3A_17 = arith.constant 0 : i32
    %dma_start3A_18 = tpu.memref_slice %arg6[%dma_start3A_15, %dma_start3A_16, %dma_start3A_17] : memref<4x128x128xi32, #tpu.memory_space<vmem>> -> memref<1x128x128xi32, #tpu.memory_space<vmem>>
    %dma_start3A_19 = tpu.memref_squeeze %dma_start3A_18 : memref<1x128x128xi32, #tpu.memory_space<vmem>> -> memref<128x128xi32, #tpu.memory_space<vmem>>
    %dma_start3A_20 = arith.constant 0 : i32
    %dma_start3A_21 = tpu.memref_slice %arg5[%dma_start3A_14, %dma_start3A_20] : memref<4x128xi32, #tpu.memory_space<vmem>> -> memref<1x128xi32, #tpu.memory_space<vmem>>
    %dma_start3A_22 = tpu.memref_squeeze %dma_start3A_21 : memref<1x128xi32, #tpu.memory_space<vmem>> -> memref<128xi32, #tpu.memory_space<vmem>>
    %dma_start3A_23 = arith.constant 0 : i32
    %dma_start3A_24 = arith.constant 0 : i32
    %dma_start3A_25 = tpu.memref_slice %arg3[%dma_start3A_23, %dma_start3A_24] : memref<125952x128xi32, #tpu.memory_space<hbm>> -> memref<125952x128xi32, #tpu.memory_space<hbm>>
    tpu.enqueue_indirect_dma source(%dma_start3A_25 : memref<125952x128xi32, #tpu.memory_space<hbm>>) target(%dma_start3A_19 : memref<128x128xi32, #tpu.memory_space<vmem>>) offsets(%dma_start3A_22 : memref<128xi32, #tpu.memory_space<vmem>>) semaphore(%arg7 : memref<!tpu.dma_semaphore, #tpu.memory_space<semaphore_mem>>)
    %dma_start3A_26 = arith.constant 2 : i32
    %dma_start3A_27 = arith.constant 2 : i32
    %dma_start3A_28 = arith.constant 0 : i32
    %dma_start3A_29 = arith.constant 0 : i32
    %dma_start3A_30 = tpu.memref_slice %arg6[%dma_start3A_27, %dma_start3A_28, %dma_start3A_29] : memref<4x128x128xi32, #tpu.memory_space<vmem>> -> memref<1x128x128xi32, #tpu.memory_space<vmem>>
    %dma_start3A_31 = tpu.memref_squeeze %dma_start3A_30 : memref<1x128x128xi32, #tpu.memory_space<vmem>> -> memref<128x128xi32, #tpu.memory_space<vmem>>
    %dma_start3A_32 = arith.constant 0 : i32
    %dma_start3A_33 = tpu.memref_slice %arg5[%dma_start3A_26, %dma_start3A_32] : memref<4x128xi32, #tpu.memory_space<vmem>> -> memref<1x128xi32, #tpu.memory_space<vmem>>
    %dma_start3A_34 = tpu.memref_squeeze %dma_start3A_33 : memref<1x128xi32, #tpu.memory_space<vmem>> -> memref<128xi32, #tpu.memory_space<vmem>>
    %dma_start3A_35 = arith.constant 0 : i32
    %dma_start3A_36 = arith.constant 0 : i32
    %dma_start3A_37 = tpu.memref_slice %arg3[%dma_start3A_35, %dma_start3A_36] : memref<125952x128xi32, #tpu.memory_space<hbm>> -> memref<125952x128xi32, #tpu.memory_space<hbm>>
    tpu.enqueue_indirect_dma source(%dma_start3A_37 : memref<125952x128xi32, #tpu.memory_space<hbm>>) target(%dma_start3A_31 : memref<128x128xi32, #tpu.memory_space<vmem>>) offsets(%dma_start3A_34 : memref<128xi32, #tpu.memory_space<vmem>>) semaphore(%arg7 : memref<!tpu.dma_semaphore, #tpu.memory_space<semaphore_mem>>)
    %dma_start3A_38 = arith.constant 3 : i32
    %dma_start3A_39 = arith.constant 3 : i32
    %dma_start3A_40 = arith.constant 0 : i32
    %dma_start3A_41 = arith.constant 0 : i32
    %dma_start3A_42 = tpu.memref_slice %arg6[%dma_start3A_39, %dma_start3A_40, %dma_start3A_41] : memref<4x128x128xi32, #tpu.memory_space<vmem>> -> memref<1x128x128xi32, #tpu.memory_space<vmem>>
    %dma_start3A_43 = tpu.memref_squeeze %dma_start3A_42 : memref<1x128x128xi32, #tpu.memory_space<vmem>> -> memref<128x128xi32, #tpu.memory_space<vmem>>
    %dma_start3A_44 = arith.constant 0 : i32
    %dma_start3A_45 = tpu.memref_slice %arg5[%dma_start3A_38, %dma_start3A_44] : memref<4x128xi32, #tpu.memory_space<vmem>> -> memref<1x128xi32, #tpu.memory_space<vmem>>
    %dma_start3A_46 = tpu.memref_squeeze %dma_start3A_45 : memref<1x128xi32, #tpu.memory_space<vmem>> -> memref<128xi32, #tpu.memory_space<vmem>>
    %dma_start3A_47 = arith.constant 0 : i32
    %dma_start3A_48 = arith.constant 0 : i32
    %dma_start3A_49 = tpu.memref_slice %arg3[%dma_start3A_47, %dma_start3A_48] : memref<125952x128xi32, #tpu.memory_space<hbm>> -> memref<125952x128xi32, #tpu.memory_space<hbm>>
    tpu.enqueue_indirect_dma source(%dma_start3A_49 : memref<125952x128xi32, #tpu.memory_space<hbm>>) target(%dma_start3A_43 : memref<128x128xi32, #tpu.memory_space<vmem>>) offsets(%dma_start3A_46 : memref<128xi32, #tpu.memory_space<vmem>>) semaphore(%arg7 : memref<!tpu.dma_semaphore, #tpu.memory_space<semaphore_mem>>)
    %dma_wait3A = arith.constant 0 : i32
    %dma_wait3A_50 = arith.constant 0 : i32
    %dma_wait3A_51 = arith.constant 0 : i32
    %dma_wait3A_52 = arith.constant 0 : i32
    %dma_wait3A_53 = tpu.memref_slice %arg6[%dma_wait3A_50, %dma_wait3A_51, %dma_wait3A_52] : memref<4x128x128xi32, #tpu.memory_space<vmem>> -> memref<1x128x128xi32, #tpu.memory_space<vmem>>
    %dma_wait3A_54 = tpu.memref_squeeze %dma_wait3A_53 : memref<1x128x128xi32, #tpu.memory_space<vmem>> -> memref<128x128xi32, #tpu.memory_space<vmem>>
    %dma_wait3A_55 = arith.constant 0 : i32
    %dma_wait3A_56 = tpu.memref_slice %arg5[%dma_wait3A, %dma_wait3A_55] : memref<4x128xi32, #tpu.memory_space<vmem>> -> memref<1x128xi32, #tpu.memory_space<vmem>>
    %dma_wait3A_57 = tpu.memref_squeeze %dma_wait3A_56 : memref<1x128xi32, #tpu.memory_space<vmem>> -> memref<128xi32, #tpu.memory_space<vmem>>
    %dma_wait3A_58 = arith.constant 0 : i32
    %dma_wait3A_59 = arith.constant 0 : i32
    %dma_wait3A_60 = tpu.memref_slice %arg3[%dma_wait3A_58, %dma_wait3A_59] : memref<125952x128xi32, #tpu.memory_space<hbm>> -> memref<125952x128xi32, #tpu.memory_space<hbm>>
    tpu.wait_indirect_dma semaphore(%arg7 : memref<!tpu.dma_semaphore, #tpu.memory_space<semaphore_mem>>) src(%dma_wait3A_60 : memref<125952x128xi32, #tpu.memory_space<hbm>>) dst(%dma_wait3A_54 : memref<128x128xi32, #tpu.memory_space<vmem>>)
    %add3A_61 = arith.constant 0 : i32
    %add3A_62 = arith.addi %mul3A_2, %add3A_61 : i32
    %run_scoped3A = arith.constant 0 : i32
    "tpu.region"() ({
      %run_scoped3A_108 = tpu.sem_alloc : memref<!tpu.dma_semaphore, #tpu.memory_space<semaphore_mem>>
      %dma_start3A_109 = arith.constant 0 : i32
      %dma_start3A_110 = arith.constant 0 : i32
      %dma_start3A_111 = tpu.memref_slice %arg6[%run_scoped3A, %dma_start3A_109, %dma_start3A_110] : memref<4x128x128xi32, #tpu.memory_space<vmem>> -> memref<1x128x128xi32, #tpu.memory_space<vmem>>
      %dma_start3A_112 = tpu.memref_squeeze %dma_start3A_111 : memref<1x128x128xi32, #tpu.memory_space<vmem>> -> memref<128x128xi32, #tpu.memory_space<vmem>>
      %dma_start3A_113 = arith.constant 0 : i32
      %dma_start3A_114 = tpu.memref_slice %arg4[%add3A_62, %dma_start3A_113] : memref<16384x128xi32, #tpu.memory_space<hbm>> -> memref<128x128xi32, #tpu.memory_space<hbm>>
      %dma_start3A_115 = arith.constant 0 : i32
      %dma_start3A_116 = tpu.memref_slice %arg4[%add3A_62, %dma_start3A_115] : memref<16384x128xi32, #tpu.memory_space<hbm>> -> memref<128x128xi32, #tpu.memory_space<hbm>>
      %dma_start3A_117 = arith.constant 0 : i32
      %dma_start3A_118 = arith.constant 0 : i32
      %dma_start3A_119 = tpu.memref_slice %arg6[%run_scoped3A, %dma_start3A_117, %dma_start3A_118] : memref<4x128x128xi32, #tpu.memory_space<vmem>> -> memref<1x128x128xi32, #tpu.memory_space<vmem>>
      %dma_start3A_120 = tpu.memref_squeeze %dma_start3A_119 : memref<1x128x128xi32, #tpu.memory_space<vmem>> -> memref<128x128xi32, #tpu.memory_space<vmem>>
      tpu.enqueue_dma source(%dma_start3A_120 : memref<128x128xi32, #tpu.memory_space<vmem>>) target(%dma_start3A_116 : memref<128x128xi32, #tpu.memory_space<hbm>>) target_semaphore(%run_scoped3A_108 : memref<!tpu.dma_semaphore, #tpu.memory_space<semaphore_mem>>)
      %dma_wait3A_121 = arith.constant 0 : i32
      %dma_wait3A_122 = arith.constant 0 : i32
      %dma_wait3A_123 = tpu.memref_slice %arg6[%run_scoped3A, %dma_wait3A_121, %dma_wait3A_122] : memref<4x128x128xi32, #tpu.memory_space<vmem>> -> memref<1x128x128xi32, #tpu.memory_space<vmem>>
      %dma_wait3A_124 = tpu.memref_squeeze %dma_wait3A_123 : memref<1x128x128xi32, #tpu.memory_space<vmem>> -> memref<128x128xi32, #tpu.memory_space<vmem>>
      %dma_wait3A_125 = arith.constant 0 : i32
      %dma_wait3A_126 = tpu.memref_slice %arg4[%add3A_62, %dma_wait3A_125] : memref<16384x128xi32, #tpu.memory_space<hbm>> -> memref<128x128xi32, #tpu.memory_space<hbm>>
      %dma_wait3A_127 = arith.constant 0 : i32
      %dma_wait3A_128 = tpu.memref_slice %arg4[%add3A_62, %dma_wait3A_127] : memref<16384x128xi32, #tpu.memory_space<hbm>> -> memref<128x128xi32, #tpu.memory_space<hbm>>
      %dma_wait3A_129 = arith.constant 0 : i32
      %dma_wait3A_130 = arith.constant 0 : i32
      %dma_wait3A_131 = tpu.memref_slice %arg6[%run_scoped3A, %dma_wait3A_129, %dma_wait3A_130] : memref<4x128x128xi32, #tpu.memory_space<vmem>> -> memref<1x128x128xi32, #tpu.memory_space<vmem>>
      %dma_wait3A_132 = tpu.memref_squeeze %dma_wait3A_131 : memref<1x128x128xi32, #tpu.memory_space<vmem>> -> memref<128x128xi32, #tpu.memory_space<vmem>>
      tpu.wait_dma2 semaphore(%run_scoped3A_108 : memref<!tpu.dma_semaphore, #tpu.memory_space<semaphore_mem>>) src(%dma_wait3A_132 : memref<128x128xi32, #tpu.memory_space<vmem>>) dst(%dma_wait3A_128 : memref<128x128xi32, #tpu.memory_space<hbm>>)
      tpu.yield
    }) : () -> ()
    %dma_wait3A_63 = arith.constant 1 : i32
    %dma_wait3A_64 = arith.constant 1 : i32
    %dma_wait3A_65 = arith.constant 0 : i32
    %dma_wait3A_66 = arith.constant 0 : i32
    %dma_wait3A_67 = tpu.memref_slice %arg6[%dma_wait3A_64, %dma_wait3A_65, %dma_wait3A_66] : memref<4x128x128xi32, #tpu.memory_space<vmem>> -> memref<1x128x128xi32, #tpu.memory_space<vmem>>
    %dma_wait3A_68 = tpu.memref_squeeze %dma_wait3A_67 : memref<1x128x128xi32, #tpu.memory_space<vmem>> -> memref<128x128xi32, #tpu.memory_space<vmem>>
    %dma_wait3A_69 = arith.constant 0 : i32
    %dma_wait3A_70 = tpu.memref_slice %arg5[%dma_wait3A_63, %dma_wait3A_69] : memref<4x128xi32, #tpu.memory_space<vmem>> -> memref<1x128xi32, #tpu.memory_space<vmem>>
    %dma_wait3A_71 = tpu.memref_squeeze %dma_wait3A_70 : memref<1x128xi32, #tpu.memory_space<vmem>> -> memref<128xi32, #tpu.memory_space<vmem>>
    %dma_wait3A_72 = arith.constant 0 : i32
    %dma_wait3A_73 = arith.constant 0 : i32
    %dma_wait3A_74 = tpu.memref_slice %arg3[%dma_wait3A_72, %dma_wait3A_73] : memref<125952x128xi32, #tpu.memory_space<hbm>> -> memref<125952x128xi32, #tpu.memory_space<hbm>>
    tpu.wait_indirect_dma semaphore(%arg7 : memref<!tpu.dma_semaphore, #tpu.memory_space<semaphore_mem>>) src(%dma_wait3A_74 : memref<125952x128xi32, #tpu.memory_space<hbm>>) dst(%dma_wait3A_68 : memref<128x128xi32, #tpu.memory_space<vmem>>)
    %add3A_75 = arith.constant 128 : i32
    %add3A_76 = arith.addi %mul3A_2, %add3A_75 : i32
    %run_scoped3A_77 = arith.constant 1 : i32
    "tpu.region"() ({
      %run_scoped3A_108 = tpu.sem_alloc : memref<!tpu.dma_semaphore, #tpu.memory_space<semaphore_mem>>
      %dma_start3A_109 = arith.constant 0 : i32
      %dma_start3A_110 = arith.constant 0 : i32
      %dma_start3A_111 = tpu.memref_slice %arg6[%run_scoped3A_77, %dma_start3A_109, %dma_start3A_110] : memref<4x128x128xi32, #tpu.memory_space<vmem>> -> memref<1x128x128xi32, #tpu.memory_space<vmem>>
      %dma_start3A_112 = tpu.memref_squeeze %dma_start3A_111 : memref<1x128x128xi32, #tpu.memory_space<vmem>> -> memref<128x128xi32, #tpu.memory_space<vmem>>
      %dma_start3A_113 = arith.constant 0 : i32
      %dma_start3A_114 = tpu.memref_slice %arg4[%add3A_76, %dma_start3A_113] : memref<16384x128xi32, #tpu.memory_space<hbm>> -> memref<128x128xi32, #tpu.memory_space<hbm>>
      %dma_start3A_115 = arith.constant 0 : i32
      %dma_start3A_116 = tpu.memref_slice %arg4[%add3A_76, %dma_start3A_115] : memref<16384x128xi32, #tpu.memory_space<hbm>> -> memref<128x128xi32, #tpu.memory_space<hbm>>
      %dma_start3A_117 = arith.constant 0 : i32
      %dma_start3A_118 = arith.constant 0 : i32
      %dma_start3A_119 = tpu.memref_slice %arg6[%run_scoped3A_77, %dma_start3A_117, %dma_start3A_118] : memref<4x128x128xi32, #tpu.memory_space<vmem>> -> memref<1x128x128xi32, #tpu.memory_space<vmem>>
      %dma_start3A_120 = tpu.memref_squeeze %dma_start3A_119 : memref<1x128x128xi32, #tpu.memory_space<vmem>> -> memref<128x128xi32, #tpu.memory_space<vmem>>
      tpu.enqueue_dma source(%dma_start3A_120 : memref<128x128xi32, #tpu.memory_space<vmem>>) target(%dma_start3A_116 : memref<128x128xi32, #tpu.memory_space<hbm>>) target_semaphore(%run_scoped3A_108 : memref<!tpu.dma_semaphore, #tpu.memory_space<semaphore_mem>>)
      %dma_wait3A_121 = arith.constant 0 : i32
      %dma_wait3A_122 = arith.constant 0 : i32
      %dma_wait3A_123 = tpu.memref_slice %arg6[%run_scoped3A_77, %dma_wait3A_121, %dma_wait3A_122] : memref<4x128x128xi32, #tpu.memory_space<vmem>> -> memref<1x128x128xi32, #tpu.memory_space<vmem>>
      %dma_wait3A_124 = tpu.memref_squeeze %dma_wait3A_123 : memref<1x128x128xi32, #tpu.memory_space<vmem>> -> memref<128x128xi32, #tpu.memory_space<vmem>>
      %dma_wait3A_125 = arith.constant 0 : i32
      %dma_wait3A_126 = tpu.memref_slice %arg4[%add3A_76, %dma_wait3A_125] : memref<16384x128xi32, #tpu.memory_space<hbm>> -> memref<128x128xi32, #tpu.memory_space<hbm>>
      %dma_wait3A_127 = arith.constant 0 : i32
      %dma_wait3A_128 = tpu.memref_slice %arg4[%add3A_76, %dma_wait3A_127] : memref<16384x128xi32, #tpu.memory_space<hbm>> -> memref<128x128xi32, #tpu.memory_space<hbm>>
      %dma_wait3A_129 = arith.constant 0 : i32
      %dma_wait3A_130 = arith.constant 0 : i32
      %dma_wait3A_131 = tpu.memref_slice %arg6[%run_scoped3A_77, %dma_wait3A_129, %dma_wait3A_130] : memref<4x128x128xi32, #tpu.memory_space<vmem>> -> memref<1x128x128xi32, #tpu.memory_space<vmem>>
      %dma_wait3A_132 = tpu.memref_squeeze %dma_wait3A_131 : memref<1x128x128xi32, #tpu.memory_space<vmem>> -> memref<128x128xi32, #tpu.memory_space<vmem>>
      tpu.wait_dma2 semaphore(%run_scoped3A_108 : memref<!tpu.dma_semaphore, #tpu.memory_space<semaphore_mem>>) src(%dma_wait3A_132 : memref<128x128xi32, #tpu.memory_space<vmem>>) dst(%dma_wait3A_128 : memref<128x128xi32, #tpu.memory_space<hbm>>)
      tpu.yield
    }) : () -> ()
    %dma_wait3A_78 = arith.constant 2 : i32
    %dma_wait3A_79 = arith.constant 2 : i32
    %dma_wait3A_80 = arith.constant 0 : i32
    %dma_wait3A_81 = arith.constant 0 : i32
    %dma_wait3A_82 = tpu.memref_slice %arg6[%dma_wait3A_79, %dma_wait3A_80, %dma_wait3A_81] : memref<4x128x128xi32, #tpu.memory_space<vmem>> -> memref<1x128x128xi32, #tpu.memory_space<vmem>>
    %dma_wait3A_83 = tpu.memref_squeeze %dma_wait3A_82 : memref<1x128x128xi32, #tpu.memory_space<vmem>> -> memref<128x128xi32, #tpu.memory_space<vmem>>
    %dma_wait3A_84 = arith.constant 0 : i32
    %dma_wait3A_85 = tpu.memref_slice %arg5[%dma_wait3A_78, %dma_wait3A_84] : memref<4x128xi32, #tpu.memory_space<vmem>> -> memref<1x128xi32, #tpu.memory_space<vmem>>
    %dma_wait3A_86 = tpu.memref_squeeze %dma_wait3A_85 : memref<1x128xi32, #tpu.memory_space<vmem>> -> memref<128xi32, #tpu.memory_space<vmem>>
    %dma_wait3A_87 = arith.constant 0 : i32
    %dma_wait3A_88 = arith.constant 0 : i32
    %dma_wait3A_89 = tpu.memref_slice %arg3[%dma_wait3A_87, %dma_wait3A_88] : memref<125952x128xi32, #tpu.memory_space<hbm>> -> memref<125952x128xi32, #tpu.memory_space<hbm>>
    tpu.wait_indirect_dma semaphore(%arg7 : memref<!tpu.dma_semaphore, #tpu.memory_space<semaphore_mem>>) src(%dma_wait3A_89 : memref<125952x128xi32, #tpu.memory_space<hbm>>) dst(%dma_wait3A_83 : memref<128x128xi32, #tpu.memory_space<vmem>>)
    %add3A_90 = arith.constant 256 : i32
    %add3A_91 = arith.addi %mul3A_2, %add3A_90 : i32
    %run_scoped3A_92 = arith.constant 2 : i32
    "tpu.region"() ({
      %run_scoped3A_108 = tpu.sem_alloc : memref<!tpu.dma_semaphore, #tpu.memory_space<semaphore_mem>>
      %dma_start3A_109 = arith.constant 0 : i32
      %dma_start3A_110 = arith.constant 0 : i32
      %dma_start3A_111 = tpu.memref_slice %arg6[%run_scoped3A_92, %dma_start3A_109, %dma_start3A_110] : memref<4x128x128xi32, #tpu.memory_space<vmem>> -> memref<1x128x128xi32, #tpu.memory_space<vmem>>
      %dma_start3A_112 = tpu.memref_squeeze %dma_start3A_111 : memref<1x128x128xi32, #tpu.memory_space<vmem>> -> memref<128x128xi32, #tpu.memory_space<vmem>>
      %dma_start3A_113 = arith.constant 0 : i32
      %dma_start3A_114 = tpu.memref_slice %arg4[%add3A_91, %dma_start3A_113] : memref<16384x128xi32, #tpu.memory_space<hbm>> -> memref<128x128xi32, #tpu.memory_space<hbm>>
      %dma_start3A_115 = arith.constant 0 : i32
      %dma_start3A_116 = tpu.memref_slice %arg4[%add3A_91, %dma_start3A_115] : memref<16384x128xi32, #tpu.memory_space<hbm>> -> memref<128x128xi32, #tpu.memory_space<hbm>>
      %dma_start3A_117 = arith.constant 0 : i32
      %dma_start3A_118 = arith.constant 0 : i32
      %dma_start3A_119 = tpu.memref_slice %arg6[%run_scoped3A_92, %dma_start3A_117, %dma_start3A_118] : memref<4x128x128xi32, #tpu.memory_space<vmem>> -> memref<1x128x128xi32, #tpu.memory_space<vmem>>
      %dma_start3A_120 = tpu.memref_squeeze %dma_start3A_119 : memref<1x128x128xi32, #tpu.memory_space<vmem>> -> memref<128x128xi32, #tpu.memory_space<vmem>>
      tpu.enqueue_dma source(%dma_start3A_120 : memref<128x128xi32, #tpu.memory_space<vmem>>) target(%dma_start3A_116 : memref<128x128xi32, #tpu.memory_space<hbm>>) target_semaphore(%run_scoped3A_108 : memref<!tpu.dma_semaphore, #tpu.memory_space<semaphore_mem>>)
      %dma_wait3A_121 = arith.constant 0 : i32
      %dma_wait3A_122 = arith.constant 0 : i32
      %dma_wait3A_123 = tpu.memref_slice %arg6[%run_scoped3A_92, %dma_wait3A_121, %dma_wait3A_122] : memref<4x128x128xi32, #tpu.memory_space<vmem>> -> memref<1x128x128xi32, #tpu.memory_space<vmem>>
      %dma_wait3A_124 = tpu.memref_squeeze %dma_wait3A_123 : memref<1x128x128xi32, #tpu.memory_space<vmem>> -> memref<128x128xi32, #tpu.memory_space<vmem>>
      %dma_wait3A_125 = arith.constant 0 : i32
      %dma_wait3A_126 = tpu.memref_slice %arg4[%add3A_91, %dma_wait3A_125] : memref<16384x128xi32, #tpu.memory_space<hbm>> -> memref<128x128xi32, #tpu.memory_space<hbm>>
      %dma_wait3A_127 = arith.constant 0 : i32
      %dma_wait3A_128 = tpu.memref_slice %arg4[%add3A_91, %dma_wait3A_127] : memref<16384x128xi32, #tpu.memory_space<hbm>> -> memref<128x128xi32, #tpu.memory_space<hbm>>
      %dma_wait3A_129 = arith.constant 0 : i32
      %dma_wait3A_130 = arith.constant 0 : i32
      %dma_wait3A_131 = tpu.memref_slice %arg6[%run_scoped3A_92, %dma_wait3A_129, %dma_wait3A_130] : memref<4x128x128xi32, #tpu.memory_space<vmem>> -> memref<1x128x128xi32, #tpu.memory_space<vmem>>
      %dma_wait3A_132 = tpu.memref_squeeze %dma_wait3A_131 : memref<1x128x128xi32, #tpu.memory_space<vmem>> -> memref<128x128xi32, #tpu.memory_space<vmem>>
      tpu.wait_dma2 semaphore(%run_scoped3A_108 : memref<!tpu.dma_semaphore, #tpu.memory_space<semaphore_mem>>) src(%dma_wait3A_132 : memref<128x128xi32, #tpu.memory_space<vmem>>) dst(%dma_wait3A_128 : memref<128x128xi32, #tpu.memory_space<hbm>>)
      tpu.yield
    }) : () -> ()
    %dma_wait3A_93 = arith.constant 3 : i32
    %dma_wait3A_94 = arith.constant 3 : i32
    %dma_wait3A_95 = arith.constant 0 : i32
    %dma_wait3A_96 = arith.constant 0 : i32
    %dma_wait3A_97 = tpu.memref_slice %arg6[%dma_wait3A_94, %dma_wait3A_95, %dma_wait3A_96] : memref<4x128x128xi32, #tpu.memory_space<vmem>> -> memref<1x128x128xi32, #tpu.memory_space<vmem>>
    %dma_wait3A_98 = tpu.memref_squeeze %dma_wait3A_97 : memref<1x128x128xi32, #tpu.memory_space<vmem>> -> memref<128x128xi32, #tpu.memory_space<vmem>>
    %dma_wait3A_99 = arith.constant 0 : i32
    %dma_wait3A_100 = tpu.memref_slice %arg5[%dma_wait3A_93, %dma_wait3A_99] : memref<4x128xi32, #tpu.memory_space<vmem>> -> memref<1x128xi32, #tpu.memory_space<vmem>>
    %dma_wait3A_101 = tpu.memref_squeeze %dma_wait3A_100 : memref<1x128xi32, #tpu.memory_space<vmem>> -> memref<128xi32, #tpu.memory_space<vmem>>
    %dma_wait3A_102 = arith.constant 0 : i32
    %dma_wait3A_103 = arith.constant 0 : i32
    %dma_wait3A_104 = tpu.memref_slice %arg3[%dma_wait3A_102, %dma_wait3A_103] : memref<125952x128xi32, #tpu.memory_space<hbm>> -> memref<125952x128xi32, #tpu.memory_space<hbm>>
    tpu.wait_indirect_dma semaphore(%arg7 : memref<!tpu.dma_semaphore, #tpu.memory_space<semaphore_mem>>) src(%dma_wait3A_104 : memref<125952x128xi32, #tpu.memory_space<hbm>>) dst(%dma_wait3A_98 : memref<128x128xi32, #tpu.memory_space<vmem>>)
    %add3A_105 = arith.constant 384 : i32
    %add3A_106 = arith.addi %mul3A_2, %add3A_105 : i32
    %run_scoped3A_107 = arith.constant 3 : i32
    "tpu.region"() ({
      %run_scoped3A_108 = tpu.sem_alloc : memref<!tpu.dma_semaphore, #tpu.memory_space<semaphore_mem>>
      %dma_start3A_109 = arith.constant 0 : i32
      %dma_start3A_110 = arith.constant 0 : i32
      %dma_start3A_111 = tpu.memref_slice %arg6[%run_scoped3A_107, %dma_start3A_109, %dma_start3A_110] : memref<4x128x128xi32, #tpu.memory_space<vmem>> -> memref<1x128x128xi32, #tpu.memory_space<vmem>>
      %dma_start3A_112 = tpu.memref_squeeze %dma_start3A_111 : memref<1x128x128xi32, #tpu.memory_space<vmem>> -> memref<128x128xi32, #tpu.memory_space<vmem>>
      %dma_start3A_113 = arith.constant 0 : i32
      %dma_start3A_114 = tpu.memref_slice %arg4[%add3A_106, %dma_start3A_113] : memref<16384x128xi32, #tpu.memory_space<hbm>> -> memref<128x128xi32, #tpu.memory_space<hbm>>
      %dma_start3A_115 = arith.constant 0 : i32
      %dma_start3A_116 = tpu.memref_slice %arg4[%add3A_106, %dma_start3A_115] : memref<16384x128xi32, #tpu.memory_space<hbm>> -> memref<128x128xi32, #tpu.memory_space<hbm>>
      %dma_start3A_117 = arith.constant 0 : i32
      %dma_start3A_118 = arith.constant 0 : i32
      %dma_start3A_119 = tpu.memref_slice %arg6[%run_scoped3A_107, %dma_start3A_117, %dma_start3A_118] : memref<4x128x128xi32, #tpu.memory_space<vmem>> -> memref<1x128x128xi32, #tpu.memory_space<vmem>>
      %dma_start3A_120 = tpu.memref_squeeze %dma_start3A_119 : memref<1x128x128xi32, #tpu.memory_space<vmem>> -> memref<128x128xi32, #tpu.memory_space<vmem>>
      tpu.enqueue_dma source(%dma_start3A_120 : memref<128x128xi32, #tpu.memory_space<vmem>>) target(%dma_start3A_116 : memref<128x128xi32, #tpu.memory_space<hbm>>) target_semaphore(%run_scoped3A_108 : memref<!tpu.dma_semaphore, #tpu.memory_space<semaphore_mem>>)
      %dma_wait3A_121 = arith.constant 0 : i32
      %dma_wait3A_122 = arith.constant 0 : i32
      %dma_wait3A_123 = tpu.memref_slice %arg6[%run_scoped3A_107, %dma_wait3A_121, %dma_wait3A_122] : memref<4x128x128xi32, #tpu.memory_space<vmem>> -> memref<1x128x128xi32, #tpu.memory_space<vmem>>
      %dma_wait3A_124 = tpu.memref_squeeze %dma_wait3A_123 : memref<1x128x128xi32, #tpu.memory_space<vmem>> -> memref<128x128xi32, #tpu.memory_space<vmem>>
      %dma_wait3A_125 = arith.constant 0 : i32
      %dma_wait3A_126 = tpu.memref_slice %arg4[%add3A_106, %dma_wait3A_125] : memref<16384x128xi32, #tpu.memory_space<hbm>> -> memref<128x128xi32, #tpu.memory_space<hbm>>
      %dma_wait3A_127 = arith.constant 0 : i32
      %dma_wait3A_128 = tpu.memref_slice %arg4[%add3A_106, %dma_wait3A_127] : memref<16384x128xi32, #tpu.memory_space<hbm>> -> memref<128x128xi32, #tpu.memory_space<hbm>>
      %dma_wait3A_129 = arith.constant 0 : i32
      %dma_wait3A_130 = arith.constant 0 : i32
      %dma_wait3A_131 = tpu.memref_slice %arg6[%run_scoped3A_107, %dma_wait3A_129, %dma_wait3A_130] : memref<4x128x128xi32, #tpu.memory_space<vmem>> -> memref<1x128x128xi32, #tpu.memory_space<vmem>>
      %dma_wait3A_132 = tpu.memref_squeeze %dma_wait3A_131 : memref<1x128x128xi32, #tpu.memory_space<vmem>> -> memref<128x128xi32, #tpu.memory_space<vmem>>
      tpu.wait_dma2 semaphore(%run_scoped3A_108 : memref<!tpu.dma_semaphore, #tpu.memory_space<semaphore_mem>>) src(%dma_wait3A_132 : memref<128x128xi32, #tpu.memory_space<vmem>>) dst(%dma_wait3A_128 : memref<128x128xi32, #tpu.memory_space<hbm>>)
      tpu.yield
    }) : () -> ()
    return
  }
}

module attributes {stable_mosaic.version = 14 : i64} {
  func.func @_relayout_body(%arg0: i32, %arg1: memref<32x8192xf32, #tpu.memory_space<vmem>>, %arg2: memref<1024x128xi32, #tpu.memory_space<vmem>>) attributes {dimension_semantics = [#tpu.dimension_semantics<arbitrary>], iteration_bounds = array<i64: 123>, scalar_prefetch = 0 : i64, scratch_operands = 0 : i64, tpu.core_type = #tpu.core_type<tc>, window_params = [{transform_indices = @transform_0, window_bounds = array<i64: 32, 8192>}, {transform_indices = @transform_1, window_bounds = array<i64: 1024, 128>}]} {
    %get3A = arith.constant 0 : index
    %get3A_0 = arith.constant 0 : index
    %get3A_1 = vector.load %arg1[%get3A, %get3A_0] : memref<32x8192xf32, #tpu.memory_space<vmem>>, vector<32x8192xf32>
    %bitcast_convert_type3A = tpu.bitcast %get3A_1 : vector<32x8192xf32> -> vector<32x8192xi32>
    %slice3A = vector.extract_strided_slice %bitcast_convert_type3A {offsets = [0, 0], sizes = [16, 8192], strides = [1, 1]} : vector<32x8192xi32> to vector<16x8192xi32>
    %add3A = arith.constant 32767 : i32
    %add3A_2 = vector.broadcast %add3A : i32 to vector<16x8192xi32>
    %add3A_3 = arith.addi %slice3A, %add3A_2 : vector<16x8192xi32>
    %shift_right_logical3A = arith.constant 16 : i32
    %shift_right_logical3A_4 = vector.broadcast %shift_right_logical3A : i32 to vector<16x8192xi32>
    %shift_right_logical3A_5 = arith.shrui %slice3A, %shift_right_logical3A_4 : vector<16x8192xi32>
    %and3A = arith.constant 1 : i32
    %and3A_6 = vector.broadcast %and3A : i32 to vector<16x8192xi32>
    %and3A_7 = arith.andi %shift_right_logical3A_5, %and3A_6 : vector<16x8192xi32>
    %add3A_8 = arith.addi %add3A_3, %and3A_7 : vector<16x8192xi32>
    %shift_right_arithmetic3A = arith.constant 16 : i32
    %shift_right_arithmetic3A_9 = vector.broadcast %shift_right_arithmetic3A : i32 to vector<16x8192xi32>
    %shift_right_arithmetic3A_10 = arith.shrsi %add3A_8, %shift_right_arithmetic3A_9 : vector<16x8192xi32>
    %and3A_11 = arith.constant 65535 : i32
    %and3A_12 = vector.broadcast %and3A_11 : i32 to vector<16x8192xi32>
    %and3A_13 = arith.andi %shift_right_arithmetic3A_10, %and3A_12 : vector<16x8192xi32>
    %slice3A_14 = vector.extract_strided_slice %bitcast_convert_type3A {offsets = [16, 0], sizes = [16, 8192], strides = [1, 1]} : vector<32x8192xi32> to vector<16x8192xi32>
    %add3A_15 = arith.constant 32767 : i32
    %add3A_16 = vector.broadcast %add3A_15 : i32 to vector<16x8192xi32>
    %add3A_17 = arith.addi %slice3A_14, %add3A_16 : vector<16x8192xi32>
    %shift_right_logical3A_18 = arith.constant 16 : i32
    %shift_right_logical3A_19 = vector.broadcast %shift_right_logical3A_18 : i32 to vector<16x8192xi32>
    %shift_right_logical3A_20 = arith.shrui %slice3A_14, %shift_right_logical3A_19 : vector<16x8192xi32>
    %and3A_21 = arith.constant 1 : i32
    %and3A_22 = vector.broadcast %and3A_21 : i32 to vector<16x8192xi32>
    %and3A_23 = arith.andi %shift_right_logical3A_20, %and3A_22 : vector<16x8192xi32>
    %add3A_24 = arith.addi %add3A_17, %and3A_23 : vector<16x8192xi32>
    %shift_right_arithmetic3A_25 = arith.constant 16 : i32
    %shift_right_arithmetic3A_26 = vector.broadcast %shift_right_arithmetic3A_25 : i32 to vector<16x8192xi32>
    %shift_right_arithmetic3A_27 = arith.shrsi %add3A_24, %shift_right_arithmetic3A_26 : vector<16x8192xi32>
    %shift_left3A = arith.constant 16 : i32
    %shift_left3A_28 = vector.broadcast %shift_left3A : i32 to vector<16x8192xi32>
    %shift_left3A_29 = arith.shli %shift_right_arithmetic3A_27, %shift_left3A_28 : vector<16x8192xi32>
    %or3A = arith.ori %shift_left3A_29, %and3A_13 : vector<16x8192xi32>
    %slice3A_30 = vector.extract_strided_slice %or3A {offsets = [0, 0], sizes = [16, 1024], strides = [1, 1]} : vector<16x8192xi32> to vector<16x1024xi32>
    %transpose3A = tpu.transpose %slice3A_30, [1, 0] : vector<16x1024xi32> -> vector<1024x16xi32>
    %slice3A_31 = vector.extract_strided_slice %or3A {offsets = [0, 1024], sizes = [16, 1024], strides = [1, 1]} : vector<16x8192xi32> to vector<16x1024xi32>
    %transpose3A_32 = tpu.transpose %slice3A_31, [1, 0] : vector<16x1024xi32> -> vector<1024x16xi32>
    %slice3A_33 = vector.extract_strided_slice %or3A {offsets = [0, 2048], sizes = [16, 1024], strides = [1, 1]} : vector<16x8192xi32> to vector<16x1024xi32>
    %transpose3A_34 = tpu.transpose %slice3A_33, [1, 0] : vector<16x1024xi32> -> vector<1024x16xi32>
    %slice3A_35 = vector.extract_strided_slice %or3A {offsets = [0, 3072], sizes = [16, 1024], strides = [1, 1]} : vector<16x8192xi32> to vector<16x1024xi32>
    %transpose3A_36 = tpu.transpose %slice3A_35, [1, 0] : vector<16x1024xi32> -> vector<1024x16xi32>
    %slice3A_37 = vector.extract_strided_slice %or3A {offsets = [0, 4096], sizes = [16, 1024], strides = [1, 1]} : vector<16x8192xi32> to vector<16x1024xi32>
    %transpose3A_38 = tpu.transpose %slice3A_37, [1, 0] : vector<16x1024xi32> -> vector<1024x16xi32>
    %slice3A_39 = vector.extract_strided_slice %or3A {offsets = [0, 5120], sizes = [16, 1024], strides = [1, 1]} : vector<16x8192xi32> to vector<16x1024xi32>
    %transpose3A_40 = tpu.transpose %slice3A_39, [1, 0] : vector<16x1024xi32> -> vector<1024x16xi32>
    %slice3A_41 = vector.extract_strided_slice %or3A {offsets = [0, 6144], sizes = [16, 1024], strides = [1, 1]} : vector<16x8192xi32> to vector<16x1024xi32>
    %transpose3A_42 = tpu.transpose %slice3A_41, [1, 0] : vector<16x1024xi32> -> vector<1024x16xi32>
    %slice3A_43 = vector.extract_strided_slice %or3A {offsets = [0, 7168], sizes = [16, 1024], strides = [1, 1]} : vector<16x8192xi32> to vector<16x1024xi32>
    %transpose3A_44 = tpu.transpose %slice3A_43, [1, 0] : vector<16x1024xi32> -> vector<1024x16xi32>
    %concatenate3A = tpu.concatenate %transpose3A, %transpose3A_32, %transpose3A_34, %transpose3A_36, %transpose3A_38, %transpose3A_40, %transpose3A_42, %transpose3A_44 in 1 : vector<1024x16xi32>, vector<1024x16xi32>, vector<1024x16xi32>, vector<1024x16xi32>, vector<1024x16xi32>, vector<1024x16xi32>, vector<1024x16xi32>, vector<1024x16xi32> -> vector<1024x128xi32>
    %swap3A = arith.constant 0 : index
    %swap3A_45 = arith.constant 0 : index
    %swap3A_46 = vector.load %arg2[%swap3A, %swap3A_45] : memref<1024x128xi32, #tpu.memory_space<vmem>>, vector<1024x128xi32>
    tpu.vector_store %arg2[%swap3A, %swap3A_45], %concatenate3A {strides = array<i32>} : memref<1024x128xi32, #tpu.memory_space<vmem>>, vector<1024x128xi32>,
    return
  }
  func.func @transform_0(%arg0: i32) -> (i32, i32) {
    %c0_i32 = arith.constant 0 : i32
    %c0_i32_0 = arith.constant 0 : i32
    return %c0_i32, %arg0 : i32, i32
  }
  func.func @transform_1(%arg0: i32) -> (i32, i32) {
    %c0_i32 = arith.constant 0 : i32
    %c0_i32_0 = arith.constant 0 : i32
    return %arg0, %c0_i32 : i32, i32
  }
}

module attributes {stable_mosaic.version = 14 : i64} {
  func.func @_mlp_body(%arg0: i32, %arg1: memref<2048x128xi32, #tpu.memory_space<vmem>>, %arg2: memref<2048x1xi32, #tpu.memory_space<vmem>>, %arg3: memref<128x256xbf16, #tpu.memory_space<vmem>>, %arg4: memref<128x256xbf16, #tpu.memory_space<vmem>>, %arg5: memref<256x1xf32, #tpu.memory_space<vmem>>, %arg6: memref<1000x256xbf16, #tpu.memory_space<vmem>>, %arg7: memref<1000x1xf32, #tpu.memory_space<vmem>>, %arg8: memref<1000x2048xf32, #tpu.memory_space<vmem>>) attributes {dimension_semantics = [#tpu.dimension_semantics<arbitrary>], iteration_bounds = array<i64: 8>, scalar_prefetch = 0 : i64, scratch_operands = 0 : i64, tpu.core_type = #tpu.core_type<tc>, window_params = [{transform_indices = @transform_0, window_bounds = array<i64: 2048, 128>}, {transform_indices = @transform_1, window_bounds = array<i64: 2048, 1>}, {pipeline_mode = #tpu.pipeline_mode<synchronous>, transform_indices = @transform_2, window_bounds = array<i64: 128, 256>}, {pipeline_mode = #tpu.pipeline_mode<synchronous>, transform_indices = @transform_3, window_bounds = array<i64: 128, 256>}, {pipeline_mode = #tpu.pipeline_mode<synchronous>, transform_indices = @transform_4, window_bounds = array<i64: 256, 1>}, {pipeline_mode = #tpu.pipeline_mode<synchronous>, transform_indices = @transform_5, window_bounds = array<i64: 1000, 256>}, {pipeline_mode = #tpu.pipeline_mode<synchronous>, transform_indices = @transform_6, window_bounds = array<i64: 1000, 1>}, {transform_indices = @transform_7, window_bounds = array<i64: 1000, 2048>}]} {
    %get3A = arith.constant 0 : index
    %get3A_0 = arith.constant 0 : index
    %get3A_1 = vector.load %arg1[%get3A, %get3A_0] : memref<2048x128xi32, #tpu.memory_space<vmem>>, vector<2048x128xi32>
    %iota3A = tpu.iota {dimensions = array<i32: 1>} : vector<2048x128xi32>
    %jit3A = arith.constant 16 : i32
    %div3A = vector.broadcast %jit3A : i32 to vector<2048x128xi32>
    %div3A_2 = arith.divsi %iota3A, %div3A : vector<2048x128xi32>
    %sign3A = arith.constant 0 : i32
    %sign3A_3 = vector.broadcast %sign3A : i32 to vector<2048x128xi32>
    %sign3A_4 = arith.cmpi sgt, %iota3A, %sign3A_3 : vector<2048x128xi32>
    %sign3A_5 = arith.extui %sign3A_4 : vector<2048x128xi1> to vector<2048x128xi32>
    %sign3A_6 = arith.constant 0 : i32
    %sign3A_7 = vector.broadcast %sign3A_6 : i32 to vector<2048x128xi32>
    %sign3A_8 = arith.cmpi slt, %iota3A, %sign3A_7 : vector<2048x128xi32>
    %sign3A_9 = arith.extui %sign3A_8 : vector<2048x128xi1> to vector<2048x128xi32>
    %sign3A_10 = arith.subi %sign3A_5, %sign3A_9 : vector<2048x128xi32>
    %sign3A_11 = arith.constant 0 : i32
    %sign3A_12 = arith.cmpi sgt, %jit3A, %sign3A_11 : i32
    %sign3A_13 = arith.extui %sign3A_12 : i1 to i32
    %sign3A_14 = arith.constant 0 : i32
    %sign3A_15 = arith.cmpi slt, %jit3A, %sign3A_14 : i32
    %sign3A_16 = arith.extui %sign3A_15 : i1 to i32
    %sign3A_17 = arith.subi %sign3A_13, %sign3A_16 : i32
    %ne3A = vector.broadcast %sign3A_17 : i32 to vector<2048x128xi32>
    %ne3A_18 = arith.cmpi ne, %sign3A_10, %ne3A : vector<2048x128xi32>
    %rem3A = vector.broadcast %jit3A : i32 to vector<2048x128xi32>
    %rem3A_19 = arith.remsi %iota3A, %rem3A : vector<2048x128xi32>
    %ne3A_20 = arith.constant 0 : i32
    %ne3A_21 = vector.broadcast %ne3A_20 : i32 to vector<2048x128xi32>
    %ne3A_22 = arith.cmpi ne, %rem3A_19, %ne3A_21 : vector<2048x128xi32>
    %and3A = arith.andi %ne3A_18, %ne3A_22 : vector<2048x128xi1>
    %sub3A = arith.constant 1 : i32
    %sub3A_23 = vector.broadcast %sub3A : i32 to vector<2048x128xi32>
    %sub3A_24 = arith.subi %div3A_2, %sub3A_23 : vector<2048x128xi32>
    %select_n3A = arith.select %and3A, %sub3A_24, %div3A_2 : vector<2048x128xi1>, vector<2048x128xi32>
    %get3A_25 = arith.constant 0 : index
    %get3A_26 = arith.constant 0 : index
    %get3A_27 = vector.load %arg2[%get3A_25, %get3A_26] : memref<2048x1xi32, #tpu.memory_space<vmem>>, vector<2048x1xi32>
    %eq3A = vector.broadcast %get3A_27 : vector<2048x1xi32> to vector<2048x128xi32>
    %eq3A_28 = arith.cmpi eq, %select_n3A, %eq3A : vector<2048x128xi32>
    %jit3A_29 = arith.constant 0 : i32
    %broadcast_in_dim3A = vector.broadcast %jit3A_29 : i32 to vector<2048x128xi32>
    %select_n3A_30 = arith.select %eq3A_28, %get3A_1, %broadcast_in_dim3A : vector<2048x128xi1>, vector<2048x128xi32>
    %shift_left3A = arith.constant 16 : i32
    %shift_left3A_31 = vector.broadcast %shift_left3A : i32 to vector<2048x128xi32>
    %shift_left3A_32 = arith.shli %select_n3A_30, %shift_left3A_31 : vector<2048x128xi32>
    %bitcast_convert_type3A = tpu.bitcast %shift_left3A_32 : vector<2048x128xi32> -> vector<2048x128xf32>
    %convert_element_type3A = arith.truncf %bitcast_convert_type3A : vector<2048x128xf32> to vector<2048x128xbf16>
    %and3A_33 = arith.constant -65536 : i32
    %and3A_34 = vector.broadcast %and3A_33 : i32 to vector<2048x128xi32>
    %and3A_35 = arith.andi %select_n3A_30, %and3A_34 : vector<2048x128xi32>
    %bitcast_convert_type3A_36 = tpu.bitcast %and3A_35 : vector<2048x128xi32> -> vector<2048x128xf32>
    %convert_element_type3A_37 = arith.truncf %bitcast_convert_type3A_36 : vector<2048x128xf32> to vector<2048x128xbf16>
    %get3A_38 = arith.constant 0 : index
    %get3A_39 = arith.constant 0 : index
    %get3A_40 = vector.load %arg3[%get3A_38, %get3A_39] : memref<128x256xbf16, #tpu.memory_space<vmem>>, vector<128x256xbf16>
    %dot_general3A = arith.constant dense<0.000000e+00> : vector<256x2048xf32>
    %dot_general3A_41 = tpu.matmul %get3A_40, %convert_element_type3A, %dot_general3A {dimension_numbers = #tpu.dot_dimension_numbers<[0], [1], [1], [0], [0, 1, 1, 0], [], []>, transpose_lhs_hint = false} : vector<128x256xbf16>, vector<2048x128xbf16>, vector<256x2048xf32> -> vector<256x2048xf32>
    %get3A_42 = arith.constant 0 : index
    %get3A_43 = arith.constant 0 : index
    %get3A_44 = vector.load %arg4[%get3A_42, %get3A_43] : memref<128x256xbf16, #tpu.memory_space<vmem>>, vector<128x256xbf16>
    %dot_general3A_45 = arith.constant dense<0.000000e+00> : vector<256x2048xf32>
    %dot_general3A_46 = tpu.matmul %get3A_44, %convert_element_type3A_37, %dot_general3A_45 {dimension_numbers = #tpu.dot_dimension_numbers<[0], [1], [1], [0], [0, 1, 1, 0], [], []>, transpose_lhs_hint = false} : vector<128x256xbf16>, vector<2048x128xbf16>, vector<256x2048xf32> -> vector<256x2048xf32>
    %add3A = arith.addf %dot_general3A_41, %dot_general3A_46 : vector<256x2048xf32>
    %get3A_47 = arith.constant 0 : index
    %get3A_48 = arith.constant 0 : index
    %get3A_49 = vector.load %arg5[%get3A_47, %get3A_48] : memref<256x1xf32, #tpu.memory_space<vmem>>, vector<256x1xf32>
    %add3A_50 = vector.broadcast %get3A_49 : vector<256x1xf32> to vector<256x2048xf32>
    %add3A_51 = arith.addf %add3A, %add3A_50 : vector<256x2048xf32>
    %max3A = arith.constant 0.000000e+00 : f32
    %max3A_52 = vector.broadcast %max3A : f32 to vector<256x2048xf32>
    %max3A_53 = arith.maximumf %add3A_51, %max3A_52 : vector<256x2048xf32>
    %convert_element_type3A_54 = arith.truncf %max3A_53 : vector<256x2048xf32> to vector<256x2048xbf16>
    %get3A_55 = arith.constant 0 : index
    %get3A_56 = arith.constant 0 : index
    %get3A_57 = vector.load %arg6[%get3A_55, %get3A_56] : memref<1000x256xbf16, #tpu.memory_space<vmem>>, vector<1000x256xbf16>
    %dot_general3A_58 = arith.constant dense<0.000000e+00> : vector<1000x2048xf32>
    %dot_general3A_59 = tpu.matmul %get3A_57, %convert_element_type3A_54, %dot_general3A_58 {dimension_numbers = #tpu.dot_dimension_numbers<[1], [0], [0], [1], [0, 0, 1, 1], [], []>, transpose_lhs_hint = false} : vector<1000x256xbf16>, vector<256x2048xbf16>, vector<1000x2048xf32> -> vector<1000x2048xf32>
    %get3A_60 = arith.constant 0 : index
    %get3A_61 = arith.constant 0 : index
    %get3A_62 = vector.load %arg7[%get3A_60, %get3A_61] : memref<1000x1xf32, #tpu.memory_space<vmem>>, vector<1000x1xf32>
    %add3A_63 = vector.broadcast %get3A_62 : vector<1000x1xf32> to vector<1000x2048xf32>
    %add3A_64 = arith.addf %dot_general3A_59, %add3A_63 : vector<1000x2048xf32>
    %logistic3A = arith.negf %add3A_64 : vector<1000x2048xf32>
    %logistic3A_65 = math.exp %logistic3A : vector<1000x2048xf32>
    %logistic3A_66 = arith.constant 1.000000e+00 : f32
    %logistic3A_67 = vector.broadcast %logistic3A_66 : f32 to vector<1000x2048xf32>
    %logistic3A_68 = arith.addf %logistic3A_67, %logistic3A_65 : vector<1000x2048xf32>
    %logistic3A_69 = arith.divf %logistic3A_67, %logistic3A_68 : vector<1000x2048xf32>
    %swap3A = arith.constant 0 : index
    %swap3A_70 = arith.constant 0 : index
    %swap3A_71 = vector.load %arg8[%swap3A, %swap3A_70] : memref<1000x2048xf32, #tpu.memory_space<vmem>>, vector<1000x2048xf32>
    tpu.vector_store %arg8[%swap3A, %swap3A_70], %logistic3A_69 {strides = array<i32>} : memref<1000x2048xf32, #tpu.memory_space<vmem>>, vector<1000x2048xf32>,
    return
  }
  func.func @transform_0(%arg0: i32) -> (i32, i32) {
    %c0_i32 = arith.constant 0 : i32
    %c0_i32_0 = arith.constant 0 : i32
    return %arg0, %c0_i32 : i32, i32
  }
  func.func @transform_1(%arg0: i32) -> (i32, i32) {
    %c0_i32 = arith.constant 0 : i32
    %c0_i32_0 = arith.constant 0 : i32
    return %arg0, %c0_i32 : i32, i32
  }
  func.func @transform_2(%arg0: i32) -> (i32, i32) {
    %c0_i32 = arith.constant 0 : i32
    %c0_i32_0 = arith.constant 0 : i32
    %c0_i32_1 = arith.constant 0 : i32
    return %c0_i32, %c0_i32_0 : i32, i32
  }
  func.func @transform_3(%arg0: i32) -> (i32, i32) {
    %c0_i32 = arith.constant 0 : i32
    %c0_i32_0 = arith.constant 0 : i32
    %c0_i32_1 = arith.constant 0 : i32
    return %c0_i32, %c0_i32_0 : i32, i32
  }
  func.func @transform_4(%arg0: i32) -> (i32, i32) {
    %c0_i32 = arith.constant 0 : i32
    %c0_i32_0 = arith.constant 0 : i32
    %c0_i32_1 = arith.constant 0 : i32
    return %c0_i32, %c0_i32_0 : i32, i32
  }
  func.func @transform_5(%arg0: i32) -> (i32, i32) {
    %c0_i32 = arith.constant 0 : i32
    %c0_i32_0 = arith.constant 0 : i32
    %c0_i32_1 = arith.constant 0 : i32
    return %c0_i32, %c0_i32_0 : i32, i32
  }
  func.func @transform_6(%arg0: i32) -> (i32, i32) {
    %c0_i32 = arith.constant 0 : i32
    %c0_i32_0 = arith.constant 0 : i32
    %c0_i32_1 = arith.constant 0 : i32
    return %c0_i32, %c0_i32_0 : i32, i32
  }
  func.func @transform_7(%arg0: i32) -> (i32, i32) {
    %c0_i32 = arith.constant 0 : i32
    %c0_i32_0 = arith.constant 0 : i32
    return %c0_i32, %arg0 : i32, i32
  }
}

</mosaic_0001>

<sc_bundles>
// kernel: kernel.5.cloned.1.call-start
scs
__scs_entry_jumppad:
0x0: {  	(pc) =	sbr.rel $0x88, $3  }
0x1: {  	(tag) =	ssettag $0x0;
	lr =	simm.s32 $0x1  }
0x2: {  	[smem:$0x3F9B] =	sst lr;
	_ =	strace $0xD0000000  }
0x3: {  	_ = 	snop  }
0x4: {  	_ = 	snop  }
0x5: {  	_ = 	snop  }
0x6: {  	_ = 	snop  }
0x7: {  	_ = 	snop  }
__scs_overlays_trampoline_lowered:
0x8: {  	[smem:$0x3FAA] =	sst s0  }
0x9: {  	[smem:$0x3FAB] =	sst s1  }
0xa: {  	[smem:$0x3FAC] =	sst s2  }
0xb: {  	[smem:$0x3FAD] =	sst s3  }
0xc: {  	[smem:$0x3FAE] =	sst s4  }
0xd: {  	[smem:$0x3FAF] =	sst s5  }
0xe: {  	[smem:$0x3FB0] =	sst s6  }
0xf: {  	[smem:$0x3FB1] =	sst s7  }
0x10: {  	[smem:$0x3FB2] =	sst s8  }
0x11: {  	[smem:$0x3FB3] =	sst s9;
	s0 =	simm.s32 @!p0 $0x0  }
0x12: {  	s1 =	sld [smem:$0x3F99];
	s0 =	simm.s32 @p0 $0x1  }
0x13: {  	[smem:$0x3FB4] =	sst s0;
	s0 =	simm.s32 @!p1 $0x0  }
0x14: {  	s2 =	sld [smem:$0x3F98];
	s0 =	simm.s32 @p1 $0x1  }
0x15: {  	[smem:$0x3FB5] =	sst s0;
	s0 =	simm.s32 @!p2 $0x0  }
0x16: {  	s3 =	sld [smem:$0x3FDB];
	s0 =	simm.s32 @p2 $0x1  }
0x17: {  	s4 =	simm.s32 $0x1BF5;
	[smem:$0x3FB7] =	sst s0  }
0x18: {  	s0 =	sld [smem:$0x3F9A];
	_ =	swait.ge [sflag:s4], $0x0  }
0x19: {  	s7 =	sld [smem:$0x3F9B]  }
0x1a: {  	s8 =	sadd.s32 $0xFFFFE003, lr  }
0x1b: {  	s9 =	sadd.s32 $0xFFFFFEF7, lr;
	s5 =	simm.s32 $0xFFFFFFFF;
	p2 =	slt.u32 s8, $0xFFFFF086  }
0x1c: {  	p1 =	slt.u32 s9, $0xF7A;
	s5 =	simm.s32 @!p2 $0x0  }
0x1d: {  	s5 =	simm.s32 @p1 $0x1;
	p0 =	seq.s32 s7, s2  }
0x1e: {  	s7 =	smul.u32 @!p0 $0xF7A, s2;
	p2 =	seq.s32 @!p0 s5, $0x0  }
0x1f: {  	s9 =	smul.u32 $0xF7A, s1;
	s8 =	simm.s32 @!p0 $0x1BF5;
	p2 =	por !p2, p0  }
0x20: {  	[sflag:s8] =	ssyncset.s32 @!p0 $0xFFFFF086;
	s6 =	sadd.s32 @!p0 s3, s7;
	s7 =	simm.s32 @!p0 $0x108  }
0x21: {  	s3 =	sadd.s32 s3, s9;
	s6 =	sadd.s32 @!p0 $0x88, s6;
	s7 =	simm.s32 @p2 $0x1082  }
0x22: {  	[simem:s7], [sflag:s8] =	dma.local @!p0 [hbm:s6], $0xF7A  }
0x23: {  	s9 =	sor.u32 $0xD0000000, s2;
	s6 =	simm.s32 $0x108;
	_ =	swait.ge @!p0 [sflag:s8], $0x0  }
0x24: {  	s3 =	sadd.s32 $0x88, s3;
	s6 =	simm.s32 @!p1 $0x1082;
	[sflag:s4] =	ssyncset.s32 $0xFFFFF086  }
0x25: {  	[simem:s6], [sflag:s4] =	dma.local [hbm:s3], $0xF7A  }
0x26: {  	[smem:$0x3F9B] =	sst s1;
	(tag) =	ssettag s2;
	_ =	strace s9  }
0x27: {  	s1 =	sld [smem:$0x3FAB]  }
0x28: {  	s2 =	sld [smem:$0x3FAC]  }
0x29: {  	s4 =	sld [smem:$0x3FAE]  }
0x2a: {  	p0 =	seq.s32 s5, $0x0;
	s5 =	sld [smem:$0x3FAF]  }
0x2b: {  	s6 =	sld [smem:$0x3FB0]  }
0x2c: {  	s7 =	sld [smem:$0x3FB1]  }
0x2d: {  	s3 =	simm.s32 $0x108;
	s8 =	sld [smem:$0x3FB2]  }
0x2e: {  	s3 =	simm.s32 @!p0 $0x1082;
	s9 =	sld [smem:$0x3FB3]  }
0x2f: {  	lr =	sadd.s32 s0, s3;
	s0 =	sld [smem:$0x3FAA]  }
0x30: {  	s3 =	sld [smem:$0x3FAD]  }
0x31: {  	[smem:$0x3FB6] =	sst s10  }
0x32: {  	s10 =	sld [smem:$0x3FB4];
	_ =	sdelay $0x3  }
0x33: {  	p0 =	seq.s32 s10, $0x1;
	s10 =	sld [smem:$0x3FB6];
	_ =	sdelay $0x3  }
0x34: {  	[smem:$0x3FB6] =	sst s10  }
0x35: {  	s10 =	sld [smem:$0x3FB5];
	_ =	sdelay $0x3  }
0x36: {  	p1 =	seq.s32 s10, $0x1;
	s10 =	sld [smem:$0x3FB6];
	_ =	sdelay $0x3  }
0x37: {  	[smem:$0x3FB6] =	sst s10  }
0x38: {  	s10 =	sld [smem:$0x3FB7]  }
0x39: {  	_ = 	snop;
	(pc) =	sbr.ind lr, $3  }
0x3a: {  	_ = 	snop  }
0x3b: {  	_ = 	snop  }
0x3c: {  	p2 =	seq.s32 s10, $0x1;
	s10 =	sld [smem:$0x3FB6]  }
0x3d: {  	_ =	shalt  }
0x3e: {  	_ =	shalt  }
0x3f: {  	_ =	shalt  }
0x40: {  	_ =	shalt  }
0x41: {  	_ =	shalt  }
0x42: {  	_ =	shalt  }
0x43: {  	_ =	shalt  }
0x44: {  	_ =	shalt  }
0x45: {  	_ =	shalt  }
0x46: {  	_ =	shalt  }
0x47: {  	_ =	shalt  }
0x48: {  	_ =	shalt  }
0x49: {  	_ =	shalt  }
0x4a: {  	_ =	shalt  }
0x4b: {  	_ =	shalt  }
0x4c: {  	_ =	shalt  }
0x4d: {  	_ =	shalt  }
0x4e: {  	_ =	shalt  }
0x4f: {  	_ =	shalt  }
0x50: {  	_ =	shalt  }
0x51: {  	_ =	shalt  }
0x52: {  	_ =	shalt  }
0x53: {  	_ =	shalt  }
0x54: {  	_ =	shalt  }
0x55: {  	_ =	shalt  }
0x56: {  	_ =	shalt  }
0x57: {  	_ =	shalt  }
0x58: {  	_ =	shalt  }
0x59: {  	_ =	shalt  }
0x5a: {  	_ =	shalt  }
0x5b: {  	_ =	shalt  }
0x5c: {  	_ =	shalt  }
0x5d: {  	_ =	shalt  }
0x5e: {  	_ =	shalt  }
0x5f: {  	_ =	shalt  }
0x60: {  	_ =	shalt  }
0x61: {  	_ =	shalt  }
0x62: {  	_ =	shalt  }
0x63: {  	_ =	shalt  }
0x64: {  	_ =	shalt  }
0x65: {  	_ =	shalt  }
0x66: {  	_ =	shalt  }
0x67: {  	_ =	shalt  }
0x68: {  	_ =	shalt  }
0x69: {  	_ =	shalt  }
0x6a: {  	_ =	shalt  }
0x6b: {  	_ =	shalt  }
0x6c: {  	_ =	shalt  }
0x6d: {  	_ =	shalt  }
0x6e: {  	_ =	shalt  }
0x6f: {  	_ =	shalt  }
0x70: {  	_ =	shalt  }
0x71: {  	_ =	shalt  }
0x72: {  	_ =	shalt  }
0x73: {  	_ =	shalt  }
0x74: {  	_ =	shalt  }
0x75: {  	_ =	shalt  }
0x76: {  	_ =	shalt  }
0x77: {  	_ =	shalt  }
0x78: {  	_ =	shalt  }
0x79: {  	_ =	shalt  }
0x7a: {  	_ =	shalt  }
0x7b: {  	_ =	shalt  }
0x7c: {  	_ =	shalt  }
0x7d: {  	_ =	shalt  }
0x7e: {  	_ =	shalt  }
0x7f: {  	_ =	shalt  }
0x80: {  	_ =	shalt  }
0x81: {  	_ =	shalt  }
0x82: {  	_ =	shalt  }
0x83: {  	_ =	shalt  }
0x84: {  	_ =	shalt  }
0x85: {  	_ =	shalt  }
0x86: {  	_ =	shalt  }
0x87: {  	_ =	shalt  }
.Lfunc_end0:
.L_simem_size_0:
called_computation_lowered:
.L_overlay_start_0:
0x88: {  	s2 =	sld [smem:$0x3FD9]  }
0x89: {  	s3 =	sld [smem:$0x3FFE];
	_ =	sdelay $0x1  }
0x8a: {  	s1 =	srdreg.scid  }
0x8b: {  	s0 =	sand.u32 $0x1, s1  }
0x8c: {  	s17 =	sshll.u32 s0, $0xA;
	s2 =	sadd.s32 s3, s2  }
0x8d: {  	s2 =	sadd.s32 s2, s17  }
0x8e: {  	[smem:$0x3FC2] =	sst s2  }
0x8f: {  	_ = 	snop  }
0x90: {  	s2 =	sld [smem:$0x3FD0];
	(tm) =	ssettm $0x1  }
0x91: {  	s18 =	sld [smem:$0x3FFB];
	_ =	sdelay $0x3  }
0x92: {  	_ =	strace s18  }
0x93: {  	s3 =	sld [smem:$0x3FFC];
	_ =	sdelay $0x3  }
0x94: {  	_ =	strace s3  }
0x95: {  	s3 =	sld [smem:$0x3FFD];
	_ =	sdelay $0x3  }
0x96: {  	_ =	strace s3  }
0x97: {  	_ =	strace $0x8FFFFFFF  }
0x98: {  	s19 =	sld [smem:$0x3FDB];
	_ =	sdelay $0x1  }
0x99: {  	s4 =	simm.s32 $_scs_section_size  }
0x9a: {  	s5 =	simm.s32 $_size__tile_overlayer_lowered;
	s6 =	simm.s32 $_tile_overlayer_lowered  }
0x9b: {  	s22 =	simm.s32 $0x1BFF;
	s21 =	sshll.u32 s6, $0x1;
	s3 =	sadd.s32 s4, s19  }
0x9c: {  	s7 =	simm.s32 $0x0;
	s20 =	sshll.u32 s5, $0x1;
	s5 =	sadd.s32 s21, s3  }
0x9d: {  	[timem:s7], [sflag:s22] =	dma.local [hbm:s5], s20  }
0x9e: {  	_ =	swait.ge [sflag:s22], s20  }
0x9f: {  	s4 =	ssub.s32 $0x0, s20;
	[sflag:s22] =	ssyncset.done $0x0  }
0xa0: {  	[sflag:s22] =	ssyncadd.s32 s4;
	_ =	sdelay $0x1  }
0xa1: {  	s23 =	simm.s32 $0x1B8B  }
0xa2: {  	_ =	swait.ge [sflag:s23], $0x1  }
0xa3: {  	[sflag:s23] =	ssyncset.done $0x0  }
0xa4: {  	s25 =	simm.s32 $0x1B8E;
	s24 =	sld [smem:$0x3FFE];
	[sflag:s23] =	ssyncadd.s32 $0xFFFFFFFF  }
0xa5: {  	s26 =	simm.s32 $execute0_lowered;
	[smem:$0x3FD2] =	sst s25  }
0xa6: {  	s5 =	sshll.u32 s26, $0x1;
	_ =	strace $0x80000046;
	[dreg:$0x1] =	wrdreg $0xFFFFFFFF  }
0xa7: {  	s28 =	simm.s32 $_size_execute0_lowered;
	s3 =	sadd.s32 s3, s5;
	[dreg:$0x0] =	wrdreg $0x0  }
0xa8: {  	s5 =	sshll.u32 s28, $0x1;
	[dreg:$0x2] =	wrdreg s3  }
0xa9: {  	[dreg:$0x3] =	wrdreg s5  }
0xaa: {  	[dreg:$0x4] =	wrdreg $0xC0  }
0xab: {  	_ =	task [dreg:s7], $0x5FFFF  }
0xac: {  	[dreg:$0x1] =	wrdreg $0xFFFFFFFF  }
0xad: {  	[dreg:$0x0] =	wrdreg $0x60  }
0xae: {  	[dreg:$0x2] =	wrdreg s24  }
0xaf: {  	[dreg:$0x3] =	wrdreg s2  }
0xb0: {  	[dreg:$0x4] =	wrdreg $0x9  }
0xb1: {  	_ =	task.clear_ibuf [dreg:s7], $0x5FFFF;
	_ =	strace $0x90000046  }
0xb2: {  	s29 =	simm.s32 $0x9;
	_ =	strace $0x80000048  }
0xb3: {  	_ =	swait.ge [sflag:s29], $0x1  }
0xb4: {  	[sflag:s29] =	ssyncadd.s32 $0xFFFFFFFF  }
0xb5: {  	_ =	strace $0x90000048  }
0xb6: {  	_ =	sfence  }
0xb7: {  	s30 =	sld [smem:$0x0];
	_ =	sdelay $0x2  }
0xb8: {  	s31 =	sshll.u32 s1, $0xD;
	s1 =	sshrl.u32 s1, $0x2  }
0xb9: {  	s3 =	sand.u32 $0x4000, s31;
	s1 =	sadd.s32 s1, s30  }
0xba: {  	s0 =	sor.u32 s3, s0;
	s1 =	sshll.u32 s1, $0x11  }
0xbb: {  	s0 =	sor.u32 s1, s0  }
0xbc: {  	s0 =	sadd.s32 $0x8F2B, s0  }
0xbd: {  	[sflag:s0] =	ssyncadd.remote.s32 $0x1  }
0xbe: {  	_ =	sfence.sel $0xFFFF  }
0xbf: {  	[dreg:$0x0] =	wrdreg $0xFFFFFFFF;
	(pc) =	sbr.abs _section_cstart, $3  }
0xc0: {  	[dreg:$0x1] =	wrdreg $0xFFFFFFFF  }
0xc1: {  	_ =	task.clear_ibuf [dreg:s7], $0x2FFFF;
	_ =	strace $0x9FFFFFFF  }
0xc2: {  	(tm) =	ssettm $0x7FFFFFFF  }
0xc3: {  	_ =	shalt  }
tec
execute0_lowered:
.L_overlay_start_1:
0x0: {  	(tag) =	ssettag $0x1  }
0x1: {  	s1 =	srdreg.scid  }
0x2: {  	s0 =	stileid.u32;
	s17 =	sand.u32 $0x1, s1  }
0x3: {  	s14 =	rddreg [dreg:$0x0];
	s30 =	sshll.u32 s0, $0xA;
	s3 =	sshll.u32 s17, $0x9  }
0x4: {  	s2 =	rddreg [dreg:$0x1];
	s15 =	sor.u32 s3, s30  }
0x5: {  	s1 =	rddreg [dreg:$0x2];
	s3 =	simm.s32 $0x0;
	s4 =	sshrl.u32 s15, $0x3  }
0x6: {  	[smem:$0x7FF] =	sst s3;
	s4 =	sadd.s32 s4, s14  }
0x7: {  	_ =	strace $0x80000047;
	s5 =	sadd.s32 $0x1200, s4;
	s4 =	simm.s32 $0x2  }
0x8: {  	[tilespmem:s3], [sflag:$0x2] =	stream.linear.gather [hbm4b:s5+s3], $0x200, $0x38;
	[tilespmem:$0x10200] =	vst v63  }
0x9: {  	_ =	swait.ge [sflag:s4], $0x200  }
0xa: {  	[sflag:s4] =	ssyncset.done $0x0  }
0xb: {  	s6 =	simm.s32 $0x80;
	s7 =	simm.s32 $0x200;
	[sflag:s4] =	ssyncadd.s32 $0xFFFFFE00  }
0xc: {  	[tilespmem:s7], [sflag:$0x1] =	stream.indirect.gather [hbm4b:s2+s6], $0x80, s3, s6, $0xb8;
	[tilespmem:$0x10200] =	vst v63  }
0xd: {  	s8 =	simm.s32 $0x4200  }
0xe: {  	[tilespmem:s8], [sflag:$0x1] =	stream.indirect.gather [hbm4b:s2+s6], $0x80, s6, s6, $0xb8;
	[tilespmem:$0x10200] =	vst v63  }
0xf: {  	s9 =	simm.s32 $0x100;
	s10 =	simm.s32 $0x8200  }
0x10: {  	[tilespmem:s10], [sflag:$0x1] =	stream.indirect.gather [hbm4b:s2+s6], $0x80, s9, s6, $0xb8;
	[tilespmem:$0x10200] =	vst v63  }
0x11: {  	s11 =	simm.s32 $0x180;
	s12 =	simm.s32 $0xC200;
	s13 =	simm.s32 $0x1  }
0x12: {  	[tilespmem:s12], [sflag:$0x1] =	stream.indirect.gather [hbm4b:s2+s6], $0x80, s11, s6, $0xb8;
	[tilespmem:$0x10200] =	vst v63  }
0x13: {  	s15 =	sshll.u32 s15, $0x4;
	_ =	swait.ge [sflag:s13], $0x4000  }
0x14: {  	s18 =	sadd.s32 s15, s14;
	[sflag:s13] =	ssyncset.done $0x0  }
0x15: {  	s14 =	sadd.s32 $0x1A00, s18;
	[sflag:s13] =	ssyncadd.s32 $0xFFFFC000  }
0x16: {  	[hbm4b:s14+s3] =	stream.linear.scatter [tilespmem:s7], [sflag:$0x2], $0x4000, $0x38;
	[tilespmem:$0x10200] =	vst v63  }
0x17: {  	_ =	swait.ge [sflag:s4], $0x4000  }
0x18: {  	[sflag:s4] =	ssyncset.done $0x0  }
0x19: {  	[sflag:s4] =	ssyncadd.s32 $0xFFFFC000  }
0x1a: {  	_ =	swait.ge [sflag:s13], $0x4000  }
0x1b: {  	[sflag:s13] =	ssyncset.done $0x0  }
0x1c: {  	s15 =	sadd.s32 $0x2200, s18;
	[sflag:s13] =	ssyncadd.s32 $0xFFFFC000  }
0x1d: {  	[hbm4b:s15+s3] =	stream.linear.scatter [tilespmem:s8], [sflag:$0x2], $0x4000, $0x38;
	[tilespmem:$0x10200] =	vst v63  }
0x1e: {  	_ =	swait.ge [sflag:s4], $0x4000  }
0x1f: {  	[sflag:s4] =	ssyncset.done $0x0  }
0x20: {  	[sflag:s4] =	ssyncadd.s32 $0xFFFFC000  }
0x21: {  	_ =	swait.ge [sflag:s13], $0x4000  }
0x22: {  	[sflag:s13] =	ssyncset.done $0x0  }
0x23: {  	s17 =	ssub.s32 $0x2, s17;
	s16 =	sadd.s32 $0x2A00, s18;
	[sflag:s13] =	ssyncadd.s32 $0xFFFFC000  }
0x24: {  	[hbm4b:s16+s3] =	stream.linear.scatter [tilespmem:s10], [sflag:$0x2], $0x4000, $0x38;
	[tilespmem:$0x10200] =	vst v63  }
0x25: {  	s19 =	sshrl.u32 s17, $0x1;
	_ =	swait.ge [sflag:s4], $0x4000  }
0x26: {  	s19 =	ssub.s32 s17, s19;
	[sflag:s4] =	ssyncset.done $0x0  }
0x27: {  	s31 =	smax.u32 s19, $0x1;
	[sflag:s4] =	ssyncadd.s32 $0xFFFFC000  }
0x28: {  	p0 =	sne.s32 s31, $0x1;
	_ =	swait.ge [sflag:s13], $0x4000  }
.Ltmp0:
0x29: {  	[sflag:s13] =	ssyncset.done $0x0;
	(pc) =	sbr.rel @!p0 .LBB2_2-.Ltmp0, $4  }
0x2a: {  	s17 =	sadd.s32 $0x3200, s18;
	[sflag:s13] =	ssyncadd.s32 $0xFFFFC000  }
0x2b: {  	[hbm4b:s17+s3] =	stream.linear.scatter [tilespmem:s12], [sflag:$0x2], $0x4000, $0x38;
	[tilespmem:$0x10200] =	vst v63  }
0x2c: {  	_ =	swait.ge [sflag:s4], $0x4000  }
0x2d: {  	s18 =	sadd.s32 $0xFFFFFFFF, s31;
	[sflag:s4] =	ssyncset.done $0x0  }
.LBB2_1:
0x2e: {  	p0 =	sne.s32 s18, $0x1;
	s18 =	sadd.s32 $0xFFFFFFFF, s18;
	[sflag:s4] =	ssyncadd.s32 $0xFFFFC000  }
0x2f: {  	[tilespmem:s3], [sflag:$0x2] =	stream.linear.gather [hbm4b:s5+s3], $0x200, $0x38;
	[tilespmem:$0x10200] =	vst v63  }
0x30: {  	_ =	swait.ge [sflag:s4], $0x200  }
0x31: {  	[sflag:s4] =	ssyncset.done $0x0  }
0x32: {  	[sflag:s4] =	ssyncadd.s32 $0xFFFFFE00  }
0x33: {  	[tilespmem:s7], [sflag:$0x1] =	stream.indirect.gather [hbm4b:s2+s6], $0x80, s3, s6, $0xb8;
	[tilespmem:$0x10200] =	vst v63  }
0x34: {  	_ = 	snop  }
0x35: {  	[tilespmem:s8], [sflag:$0x1] =	stream.indirect.gather [hbm4b:s2+s6], $0x80, s6, s6, $0xb8;
	[tilespmem:$0x10200] =	vst v63  }
0x36: {  	_ = 	snop  }
0x37: {  	[tilespmem:s10], [sflag:$0x1] =	stream.indirect.gather [hbm4b:s2+s6], $0x80, s9, s6, $0xb8;
	[tilespmem:$0x10200] =	vst v63  }
0x38: {  	_ = 	snop  }
0x39: {  	[tilespmem:s12], [sflag:$0x1] =	stream.indirect.gather [hbm4b:s2+s6], $0x80, s11, s6, $0xb8;
	[tilespmem:$0x10200] =	vst v63  }
0x3a: {  	_ =	swait.ge [sflag:s13], $0x4000  }
0x3b: {  	[sflag:s13] =	ssyncset.done $0x0  }
0x3c: {  	[sflag:s13] =	ssyncadd.s32 $0xFFFFC000  }
0x3d: {  	[hbm4b:s14+s3] =	stream.linear.scatter [tilespmem:s7], [sflag:$0x2], $0x4000, $0x38;
	[tilespmem:$0x10200] =	vst v63  }
0x3e: {  	_ =	swait.ge [sflag:s4], $0x4000  }
0x3f: {  	[sflag:s4] =	ssyncset.done $0x0  }
0x40: {  	[sflag:s4] =	ssyncadd.s32 $0xFFFFC000  }
0x41: {  	_ =	swait.ge [sflag:s13], $0x4000  }
0x42: {  	[sflag:s13] =	ssyncset.done $0x0  }
0x43: {  	[sflag:s13] =	ssyncadd.s32 $0xFFFFC000  }
0x44: {  	[hbm4b:s15+s3] =	stream.linear.scatter [tilespmem:s8], [sflag:$0x2], $0x4000, $0x38;
	[tilespmem:$0x10200] =	vst v63  }
0x45: {  	_ =	swait.ge [sflag:s4], $0x4000  }
0x46: {  	[sflag:s4] =	ssyncset.done $0x0  }
0x47: {  	[sflag:s4] =	ssyncadd.s32 $0xFFFFC000  }
0x48: {  	_ =	swait.ge [sflag:s13], $0x4000  }
0x49: {  	[sflag:s13] =	ssyncset.done $0x0  }
0x4a: {  	[sflag:s13] =	ssyncadd.s32 $0xFFFFC000  }
0x4b: {  	[hbm4b:s16+s3] =	stream.linear.scatter [tilespmem:s10], [sflag:$0x2], $0x4000, $0x38;
	[tilespmem:$0x10200] =	vst v63  }
0x4c: {  	_ =	swait.ge [sflag:s4], $0x4000  }
0x4d: {  	[sflag:s4] =	ssyncset.done $0x0  }
0x4e: {  	[sflag:s4] =	ssyncadd.s32 $0xFFFFC000  }
0x4f: {  	_ =	swait.ge [sflag:s13], $0x4000  }
.Ltmp1:
0x50: {  	[sflag:s13] =	ssyncset.done $0x0;
	(pc) =	sbr.rel @p0 .LBB2_1-.Ltmp1, $4  }
0x51: {  	[sflag:s13] =	ssyncadd.s32 $0xFFFFC000  }
0x52: {  	[hbm4b:s17+s3] =	stream.linear.scatter [tilespmem:s12], [sflag:$0x2], $0x4000, $0x38;
	[tilespmem:$0x10200] =	vst v63  }
0x53: {  	_ =	swait.ge [sflag:s4], $0x4000  }
0x54: {  	[sflag:s4] =	ssyncset.done $0x0  }
.LBB2_2:
0x55: {  	[sflag:s4] =	ssyncadd.s32 $0xFFFFC000  }
0x56: {  	_ =	sfence.sel $0x180000  }
0x57: {  	[bflag:$0x0] =	sbarrier.arrive $0xFFFF  }
0x58: {  	p0 =	sne.s32 s0, $0x0;
	_ =	strace $0x90000047  }
0x59: {  	s0 =	sadd.s32 @!p0 $0x100000, s1;
	[bflag:$0x2] =	sbarrier.arrive $0xFFFF  }
0x5a: {  	[sflag:s0] =	ssyncadd.tile.s32 @!p0 $0x1;
	_ =	shalt  }
.Lfunc_end2:
_tile_overlayer_lowered:
.L_overlay_start_2:
0x5b: {  	(tag) =	ssettag $0x2  }
0x5c: {  	s0 =	rddreg [dreg:$0x0];
	s2 =	stileid.u32  }
0x5d: {  	s1 =	rddreg [dreg:$0x1];
	p0 =	sne.s32 s2, $0x0  }
0x5e: {  	s3 =	rddreg [dreg:$0x2];
	[bflag:$0x3] =	sbarrier.arrive $0xFFFF;
	s2 =	simm.s32 @!p0 $0x1C02  }
0x5f: {  	[timem:s3], [sflag:s2] =	dma.local @!p0 [hbm:s0], s1  }
0x60: {  	s0 =	simm.s32 @!p0 $0x2  }
0x61: {  	_ =	swait.ge @!p0 [sflag:s0], s1  }
0x62: {  	s1 =	ssub.s32 @!p0 $0x0, s1;
	[sflag:s0] =	ssyncset.done @!p0 $0x0  }
0x63: {  	[sflag:s0] =	ssyncadd.s32 @!p0 s1  }
0x64: {  	[bflag:$0x3] =	sbarrier.arrive $0xFFFF  }
0x65: {  	_ =	shalt  }

</sc_bundles>
